<compile_context>
chip_gen: v7x
topology: tpu7x:2x2x1
jax: 0.10.2.dev20260603
libtpu: 0.0.44.dev20260713+nightly
codegen_flags: <defaults>
</compile_context>

<pallas_src>
import functools

import jax
import jax.numpy as jnp
from jax import lax
from jax.experimental import pallas as pl
from jax.experimental.pallas import tpu as pltpu
from jax.experimental.pallas import tpu_sc as plsc

VOCAB = 1000000
SEQ = 200
DIM = 64
BATCH = 1024

NC = 2
NS = 16
NW = NC * NS
ROWS = BATCH * SEQ
RPW = ROWS // NW
CHUNK = SEQ
NCHUNK = RPW // CHUNK

_mesh = plsc.VectorSubcoreMesh(core_axis_name="c", subcore_axis_name="s")


@functools.partial(
    pl.kernel,
    out_type=jax.ShapeDtypeStruct((BATCH, SEQ, 2 * DIM), jnp.float32),
    mesh=_mesh,
    compiler_params=pltpu.CompilerParams(use_tc_tiling_on_sc=False,
                                         needs_layout_passes=False),
    scratch_types=[
        pltpu.VMEM((RPW,), jnp.int32),
        pltpu.VMEM((CHUNK, 2 * DIM), jnp.float32),
        pltpu.VMEM((CHUNK, 2 * DIM), jnp.float32),
        pltpu.VMEM((SEQ, DIM), jnp.float32),
        pltpu.SemaphoreType.DMA,
        pltpu.SemaphoreType.DMA,
        pltpu.SemaphoreType.DMA,
        pltpu.SemaphoreType.DMA,
    ],
)
def _embed(tab_hbm, idx_hbm, pos_hbm, out_hbm,
           idx_v, rows0, rows1, pos_v, g0, g1, s0, s1):
    wid = lax.axis_index("s") * NC + lax.axis_index("c")
    base = wid * RPW
    bbase = wid * NCHUNK
    pltpu.sync_copy(idx_hbm.at[pl.ds(base, RPW)], idx_v)
    pltpu.sync_copy(pos_hbm, pos_v)

    def start_gather(ci, rows, sem):
        pltpu.async_copy(
            tab_hbm.at[idx_v.at[pl.ds(ci * CHUNK, CHUNK)]], rows, sem)

    def wait_gather(rows, sem):
        pltpu.make_async_copy(
            tab_hbm.at[idx_v.at[pl.ds(0, CHUNK)]], rows, sem).wait()

    def start_store(ci, rows, sem):
        pltpu.async_copy(rows, out_hbm.at[bbase + ci], sem)

    def wait_store(rows, sem):
        pltpu.make_async_copy(rows, out_hbm.at[bbase], sem).wait()

    def add_pos(rows):
        @plsc.parallel_loop(0, CHUNK, 1, unroll=4)
        def _(r):
            for c in range(DIM // 16):
                sl = pl.ds(c * 16, 16)
                rows[r, sl] = rows[r, sl] + pos_v[r, sl]

    def pair(g, _):
        ci0 = 2 * g
        ci1 = ci0 + 1

        @pl.when(g > 0)
        def _():
            wait_store(rows0, s0)

        start_gather(ci0, rows0, g0)

        @pl.when(g > 0)
        def _():
            wait_store(rows1, s1)

        start_gather(ci1, rows1, g1)

        wait_gather(rows0, g0)
        add_pos(rows0)
        start_store(ci0, rows0, s0)

        wait_gather(rows1, g1)
        add_pos(rows1)
        start_store(ci1, rows1, s1)
        return 0

    lax.fori_loop(0, NCHUNK // 2, pair, 0)
    wait_store(rows0, s0)
    wait_store(rows1, s1)


def kernel(x, token_table, pos_table):
    xf = x.reshape(-1).astype(jnp.int32)
    tabp = jnp.pad(token_table, ((0, 0), (0, DIM)))
    out = _embed(tabp, xf, pos_table)
    return lax.slice(out, (0, 0, 0), (BATCH, SEQ, DIM))

# --- scband reference (transcript-rebuilt; emitter-appended) ---
"""Pipeline reference for scband-token-and-position-embedding-21199958573922 (READ-ONLY COPY).

The authoritative reference and input builder live on the scoring server;
editing this copy changes nothing except your own understanding.
"""

import jax, jax.numpy as jnp
import numpy as np

VOCAB = 1000000
SEQ = 200
DIM = 64
BATCH = 1024

def setup_inputs(seed: int = 0) -> dict:
    key = jax.random.key(seed)
    k1, k2, k3 = jax.random.split(key, 3)
    x = jax.random.randint(k1, (BATCH, SEQ), 0, VOCAB, dtype=jnp.int64 if jax.config.jax_enable_x64 else jnp.int32)
    token_table = jax.random.normal(k2, (VOCAB, DIM), dtype=jnp.float32) * 0.02
    pos_table = jax.random.normal(k3, (SEQ, DIM), dtype=jnp.float32) * 0.02
    return {"x": x, "token_table": token_table, "pos_table": pos_table}

def reference(x, token_table, pos_table):
    seq_len = x.shape[-1]
    pos = jnp.arange(0, seq_len, 1)
    pos_emb = jnp.take(pos_table, pos, axis=0)          # [SEQ, DIM]
    tok_emb = jnp.take(token_table, x, axis=0)          # [B, SEQ, DIM]
    out = tok_emb + pos_emb                              # broadcast add over batch
    return out

if __name__ == "__main__":
    import jax
    _d = setup_inputs()
    print(jax.jit(kernel)(*tuple(_d.values())))

</pallas_src>

<mosaic_0001>
#map = affine_map<(d0, d1) -> (0, 0)>
#map1 = affine_map<(d0, d1) -> (0)>
#map2 = affine_map<(d0, d1) -> (0, 0, 0)>
module attributes {stable_mosaic.version = 14 : i64} {
  func.func @_embed(%arg0: i32, %arg1: i32, %arg2: memref<1000000x128xf32, #tpu.memory_space<hbm>>, %arg3: memref<204800xi32, #tpu.memory_space<hbm>>, %arg4: memref<200x64xf32, #tpu.memory_space<hbm>>, %arg5: memref<1024x200x128xf32, #tpu.memory_space<hbm>>, %arg6: memref<6400xi32, #tpu.memory_space<vmem>>, %arg7: memref<200x128xf32, #tpu.memory_space<vmem>>, %arg8: memref<200x128xf32, #tpu.memory_space<vmem>>, %arg9: memref<200x64xf32, #tpu.memory_space<vmem>>, %arg10: memref<!tpu.dma_semaphore, #tpu.memory_space<semaphore_mem>>, %arg11: memref<!tpu.dma_semaphore, #tpu.memory_space<semaphore_mem>>, %arg12: memref<!tpu.dma_semaphore, #tpu.memory_space<semaphore_mem>>, %arg13: memref<!tpu.dma_semaphore, #tpu.memory_space<semaphore_mem>>) attributes {dimension_semantics = [#tpu.dimension_semantics<core_parallel>, #tpu.dimension_semantics<subcore_parallel>], iteration_bounds = array<i64: 2, 16>, scalar_prefetch = 0 : i64, scratch_operands = 8 : i64, tpu.core_type = #tpu.core_type<sc_vector_subcore>, window_params = [{transform_indices = #map}, {transform_indices = #map1}, {transform_indices = #map}, {transform_indices = #map2}]} {
    %mul3A = arith.constant 2 : i32
    %mul3A_0 = arith.muli %arg1, %mul3A : i32
    %add3A = arith.addi %mul3A_0, %arg0 : i32
    %mul3A_1 = arith.constant 6400 : i32
    %mul3A_2 = arith.muli %add3A, %mul3A_1 : i32
    %mul3A_3 = arith.constant 32 : i32
    %mul3A_4 = arith.muli %add3A, %mul3A_3 : i32
    "tpu.region"() ({
      %run_scoped3A = tpu.sem_alloc : memref<!tpu.dma_semaphore, #tpu.memory_space<semaphore_mem>>
      %dma_start3A = tpu.memref_slice %arg3[%mul3A_2] : memref<204800xi32, #tpu.memory_space<hbm>> -> memref<6400xi32, #tpu.memory_space<hbm>>
      %dma_start3A_26 = tpu.memref_slice %arg3[%mul3A_2] : memref<204800xi32, #tpu.memory_space<hbm>> -> memref<6400xi32, #tpu.memory_space<hbm>>
      tpu.enqueue_dma source(%dma_start3A_26 : memref<6400xi32, #tpu.memory_space<hbm>>) target(%arg6 : memref<6400xi32, #tpu.memory_space<vmem>>) target_semaphore(%run_scoped3A : memref<!tpu.dma_semaphore, #tpu.memory_space<semaphore_mem>>)
      %dma_wait3A_27 = tpu.memref_slice %arg3[%mul3A_2] : memref<204800xi32, #tpu.memory_space<hbm>> -> memref<6400xi32, #tpu.memory_space<hbm>>
      %dma_wait3A_28 = tpu.memref_slice %arg3[%mul3A_2] : memref<204800xi32, #tpu.memory_space<hbm>> -> memref<6400xi32, #tpu.memory_space<hbm>>
      tpu.wait_dma2 semaphore(%run_scoped3A : memref<!tpu.dma_semaphore, #tpu.memory_space<semaphore_mem>>) src(%dma_wait3A_28 : memref<6400xi32, #tpu.memory_space<hbm>>) dst(%arg6 : memref<6400xi32, #tpu.memory_space<vmem>>)
      tpu.yield
    }) : () -> ()
    "tpu.region"() ({
      %run_scoped3A = tpu.sem_alloc : memref<!tpu.dma_semaphore, #tpu.memory_space<semaphore_mem>>
      tpu.enqueue_dma source(%arg4 : memref<200x64xf32, #tpu.memory_space<hbm>>) target(%arg9 : memref<200x64xf32, #tpu.memory_space<vmem>>) target_semaphore(%run_scoped3A : memref<!tpu.dma_semaphore, #tpu.memory_space<semaphore_mem>>)
      tpu.wait_dma2 semaphore(%run_scoped3A : memref<!tpu.dma_semaphore, #tpu.memory_space<semaphore_mem>>) src(%arg4 : memref<200x64xf32, #tpu.memory_space<hbm>>) dst(%arg9 : memref<200x64xf32, #tpu.memory_space<vmem>>)
      tpu.yield
    }) : () -> ()
    %scan3A = arith.constant 0 : i32
    %scan3A_5 = arith.constant 0 : i32
    %scan3A_6 = arith.constant 16 : i32
    %scan3A_7 = arith.addi %scan3A_5, %scan3A_6 : i32
    %scan3A_8 = arith.constant 1 : i32
    %scan3A_9 = scf.for %scan3A_26 = %scan3A_5 to %scan3A_7 step %scan3A_8 iter_args(%scan3A_27 = %scan3A) -> (i32)  : i32 {
      %mul3A_28 = arith.constant 2 : i32
      %mul3A_29 = arith.muli %mul3A_28, %scan3A_26 : i32
      %add3A_30 = arith.constant 1 : i32
      %add3A_31 = arith.addi %mul3A_29, %add3A_30 : i32
      %gt3A = arith.constant 0 : i32
      %gt3A_32 = arith.cmpi sgt, %scan3A_26, %gt3A : i32
      %convert_element_type3A = arith.extui %gt3A_32 : i1 to i32
      %cond3A = arith.constant 0 : i32
      %cond3A_33 = arith.cmpi ne, %convert_element_type3A, %cond3A : i32
      scf.if %cond3A_33 {
        %dma_wait3A_84 = arith.constant 0 : i32
        %dma_wait3A_85 = arith.constant 0 : i32
        %dma_wait3A_86 = tpu.memref_slice %arg5[%mul3A_4, %dma_wait3A_84, %dma_wait3A_85] : memref<1024x200x128xf32, #tpu.memory_space<hbm>> -> memref<1x200x128xf32, #tpu.memory_space<hbm>>
        %dma_wait3A_87 = tpu.memref_squeeze %dma_wait3A_86 : memref<1x200x128xf32, #tpu.memory_space<hbm>> -> memref<200x128xf32, #tpu.memory_space<hbm>>
        %dma_wait3A_88 = arith.constant 0 : i32
        %dma_wait3A_89 = arith.constant 0 : i32
        %dma_wait3A_90 = tpu.memref_slice %arg5[%mul3A_4, %dma_wait3A_88, %dma_wait3A_89] : memref<1024x200x128xf32, #tpu.memory_space<hbm>> -> memref<1x200x128xf32, #tpu.memory_space<hbm>>
        %dma_wait3A_91 = tpu.memref_squeeze %dma_wait3A_90 : memref<1x200x128xf32, #tpu.memory_space<hbm>> -> memref<200x128xf32, #tpu.memory_space<hbm>>
        tpu.wait_dma2 semaphore(%arg12 : memref<!tpu.dma_semaphore, #tpu.memory_space<semaphore_mem>>) src(%arg7 : memref<200x128xf32, #tpu.memory_space<vmem>>) dst(%dma_wait3A_91 : memref<200x128xf32, #tpu.memory_space<hbm>>)
      } else {
      }
      %mul3A_34 = arith.constant 200 : i32
      %mul3A_35 = arith.muli %mul3A_29, %mul3A_34 : i32
      %dma_start3A = tpu.memref_slice %arg6[%mul3A_35] : memref<6400xi32, #tpu.memory_space<vmem>> -> memref<200xi32, #tpu.memory_space<vmem>>
      %dma_start3A_36 = arith.constant 0 : i32
      %dma_start3A_37 = arith.constant 0 : i32
      %dma_start3A_38 = tpu.memref_slice %arg2[%dma_start3A_36, %dma_start3A_37] : memref<1000000x128xf32, #tpu.memory_space<hbm>> -> memref<1000000x128xf32, #tpu.memory_space<hbm>>
      tpu.enqueue_indirect_dma source(%dma_start3A_38 : memref<1000000x128xf32, #tpu.memory_space<hbm>>) target(%arg7 : memref<200x128xf32, #tpu.memory_space<vmem>>) offsets(%dma_start3A : memref<200xi32, #tpu.memory_space<vmem>>) semaphore(%arg10 : memref<!tpu.dma_semaphore, #tpu.memory_space<semaphore_mem>>)
      %gt3A_39 = arith.constant 0 : i32
      %gt3A_40 = arith.cmpi sgt, %scan3A_26, %gt3A_39 : i32
      %convert_element_type3A_41 = arith.extui %gt3A_40 : i1 to i32
      %cond3A_42 = arith.constant 0 : i32
      %cond3A_43 = arith.cmpi ne, %convert_element_type3A_41, %cond3A_42 : i32
      scf.if %cond3A_43 {
        %dma_wait3A_84 = arith.constant 0 : i32
        %dma_wait3A_85 = arith.constant 0 : i32
        %dma_wait3A_86 = tpu.memref_slice %arg5[%mul3A_4, %dma_wait3A_84, %dma_wait3A_85] : memref<1024x200x128xf32, #tpu.memory_space<hbm>> -> memref<1x200x128xf32, #tpu.memory_space<hbm>>
        %dma_wait3A_87 = tpu.memref_squeeze %dma_wait3A_86 : memref<1x200x128xf32, #tpu.memory_space<hbm>> -> memref<200x128xf32, #tpu.memory_space<hbm>>
        %dma_wait3A_88 = arith.constant 0 : i32
        %dma_wait3A_89 = arith.constant 0 : i32
        %dma_wait3A_90 = tpu.memref_slice %arg5[%mul3A_4, %dma_wait3A_88, %dma_wait3A_89] : memref<1024x200x128xf32, #tpu.memory_space<hbm>> -> memref<1x200x128xf32, #tpu.memory_space<hbm>>
        %dma_wait3A_91 = tpu.memref_squeeze %dma_wait3A_90 : memref<1x200x128xf32, #tpu.memory_space<hbm>> -> memref<200x128xf32, #tpu.memory_space<hbm>>
        tpu.wait_dma2 semaphore(%arg13 : memref<!tpu.dma_semaphore, #tpu.memory_space<semaphore_mem>>) src(%arg8 : memref<200x128xf32, #tpu.memory_space<vmem>>) dst(%dma_wait3A_91 : memref<200x128xf32, #tpu.memory_space<hbm>>)
      } else {
      }
      %mul3A_44 = arith.constant 200 : i32
      %mul3A_45 = arith.muli %add3A_31, %mul3A_44 : i32
      %dma_start3A_46 = tpu.memref_slice %arg6[%mul3A_45] : memref<6400xi32, #tpu.memory_space<vmem>> -> memref<200xi32, #tpu.memory_space<vmem>>
      %dma_start3A_47 = arith.constant 0 : i32
      %dma_start3A_48 = arith.constant 0 : i32
      %dma_start3A_49 = tpu.memref_slice %arg2[%dma_start3A_47, %dma_start3A_48] : memref<1000000x128xf32, #tpu.memory_space<hbm>> -> memref<1000000x128xf32, #tpu.memory_space<hbm>>
      tpu.enqueue_indirect_dma source(%dma_start3A_49 : memref<1000000x128xf32, #tpu.memory_space<hbm>>) target(%arg8 : memref<200x128xf32, #tpu.memory_space<vmem>>) offsets(%dma_start3A_46 : memref<200xi32, #tpu.memory_space<vmem>>) semaphore(%arg11 : memref<!tpu.dma_semaphore, #tpu.memory_space<semaphore_mem>>)
      %dma_wait3A_50 = arith.constant 0 : i32
      %dma_wait3A_51 = tpu.memref_slice %arg6[%dma_wait3A_50] : memref<6400xi32, #tpu.memory_space<vmem>> -> memref<200xi32, #tpu.memory_space<vmem>>
      %dma_wait3A_52 = arith.constant 0 : i32
      %dma_wait3A_53 = arith.constant 0 : i32
      %dma_wait3A_54 = tpu.memref_slice %arg2[%dma_wait3A_52, %dma_wait3A_53] : memref<1000000x128xf32, #tpu.memory_space<hbm>> -> memref<1000000x128xf32, #tpu.memory_space<hbm>>
      tpu.wait_indirect_dma semaphore(%arg10 : memref<!tpu.dma_semaphore, #tpu.memory_space<semaphore_mem>>) src(%dma_wait3A_54 : memref<1000000x128xf32, #tpu.memory_space<hbm>>) dst(%arg7 : memref<200x128xf32, #tpu.memory_space<vmem>>)
      %parallel_loop3A = arith.constant 0 : i32
      %parallel_loop3A_55 = arith.constant 200 : i32
      %parallel_loop3A_56 = arith.constant 1 : i32
      scf.for %parallel_loop3A_84 = %parallel_loop3A to %parallel_loop3A_55 step %parallel_loop3A_56  : i32 {
        %parallel_loop3A_85 = arith.index_cast %parallel_loop3A_84 : i32 to index
        %parallel_loop3A_86 = arith.constant 0 : index
        %parallel_loop3A_87 = tpu.vector_load %arg7[%parallel_loop3A_85, %parallel_loop3A_86] {strides = array<i32>} : memref<200x128xf32, #tpu.memory_space<vmem>>, vector<16xf32>,
        %parallel_loop3A_88 = arith.index_cast %parallel_loop3A_84 : i32 to index
        %parallel_loop3A_89 = arith.constant 0 : index
        %parallel_loop3A_90 = tpu.vector_load %arg9[%parallel_loop3A_88, %parallel_loop3A_89] {strides = array<i32>} : memref<200x64xf32, #tpu.memory_space<vmem>>, vector<16xf32>,
        %parallel_loop3A_91 = arith.addf %parallel_loop3A_87, %parallel_loop3A_90 : vector<16xf32>
        %parallel_loop3A_92 = arith.index_cast %parallel_loop3A_84 : i32 to index
        %parallel_loop3A_93 = arith.constant 0 : index
        %parallel_loop3A_94 = tpu.vector_load %arg7[%parallel_loop3A_92, %parallel_loop3A_93] {strides = array<i32>} : memref<200x128xf32, #tpu.memory_space<vmem>>, vector<16xf32>,
        tpu.vector_store %arg7[%parallel_loop3A_92, %parallel_loop3A_93], %parallel_loop3A_91 {strides = array<i32>} : memref<200x128xf32, #tpu.memory_space<vmem>>, vector<16xf32>,
        %parallel_loop3A_95 = arith.index_cast %parallel_loop3A_84 : i32 to index
        %parallel_loop3A_96 = arith.constant 16 : index
        %parallel_loop3A_97 = tpu.vector_load %arg7[%parallel_loop3A_95, %parallel_loop3A_96] {strides = array<i32>} : memref<200x128xf32, #tpu.memory_space<vmem>>, vector<16xf32>,
        %parallel_loop3A_98 = arith.index_cast %parallel_loop3A_84 : i32 to index
        %parallel_loop3A_99 = arith.constant 16 : index
        %parallel_loop3A_100 = tpu.vector_load %arg9[%parallel_loop3A_98, %parallel_loop3A_99] {strides = array<i32>} : memref<200x64xf32, #tpu.memory_space<vmem>>, vector<16xf32>,
        %parallel_loop3A_101 = arith.addf %parallel_loop3A_97, %parallel_loop3A_100 : vector<16xf32>
        %parallel_loop3A_102 = arith.index_cast %parallel_loop3A_84 : i32 to index
        %parallel_loop3A_103 = arith.constant 16 : index
        %parallel_loop3A_104 = tpu.vector_load %arg7[%parallel_loop3A_102, %parallel_loop3A_103] {strides = array<i32>} : memref<200x128xf32, #tpu.memory_space<vmem>>, vector<16xf32>,
        tpu.vector_store %arg7[%parallel_loop3A_102, %parallel_loop3A_103], %parallel_loop3A_101 {strides = array<i32>} : memref<200x128xf32, #tpu.memory_space<vmem>>, vector<16xf32>,
        %parallel_loop3A_105 = arith.index_cast %parallel_loop3A_84 : i32 to index
        %parallel_loop3A_106 = arith.constant 32 : index
        %parallel_loop3A_107 = tpu.vector_load %arg7[%parallel_loop3A_105, %parallel_loop3A_106] {strides = array<i32>} : memref<200x128xf32, #tpu.memory_space<vmem>>, vector<16xf32>,
        %parallel_loop3A_108 = arith.index_cast %parallel_loop3A_84 : i32 to index
        %parallel_loop3A_109 = arith.constant 32 : index
        %parallel_loop3A_110 = tpu.vector_load %arg9[%parallel_loop3A_108, %parallel_loop3A_109] {strides = array<i32>} : memref<200x64xf32, #tpu.memory_space<vmem>>, vector<16xf32>,
        %parallel_loop3A_111 = arith.addf %parallel_loop3A_107, %parallel_loop3A_110 : vector<16xf32>
        %parallel_loop3A_112 = arith.index_cast %parallel_loop3A_84 : i32 to index
        %parallel_loop3A_113 = arith.constant 32 : index
        %parallel_loop3A_114 = tpu.vector_load %arg7[%parallel_loop3A_112, %parallel_loop3A_113] {strides = array<i32>} : memref<200x128xf32, #tpu.memory_space<vmem>>, vector<16xf32>,
        tpu.vector_store %arg7[%parallel_loop3A_112, %parallel_loop3A_113], %parallel_loop3A_111 {strides = array<i32>} : memref<200x128xf32, #tpu.memory_space<vmem>>, vector<16xf32>,
        %parallel_loop3A_115 = arith.index_cast %parallel_loop3A_84 : i32 to index
        %parallel_loop3A_116 = arith.constant 48 : index
        %parallel_loop3A_117 = tpu.vector_load %arg7[%parallel_loop3A_115, %parallel_loop3A_116] {strides = array<i32>} : memref<200x128xf32, #tpu.memory_space<vmem>>, vector<16xf32>,
        %parallel_loop3A_118 = arith.index_cast %parallel_loop3A_84 : i32 to index
        %parallel_loop3A_119 = arith.constant 48 : index
        %parallel_loop3A_120 = tpu.vector_load %arg9[%parallel_loop3A_118, %parallel_loop3A_119] {strides = array<i32>} : memref<200x64xf32, #tpu.memory_space<vmem>>, vector<16xf32>,
        %parallel_loop3A_121 = arith.addf %parallel_loop3A_117, %parallel_loop3A_120 : vector<16xf32>
        %parallel_loop3A_122 = arith.index_cast %parallel_loop3A_84 : i32 to index
        %parallel_loop3A_123 = arith.constant 48 : index
        %parallel_loop3A_124 = tpu.vector_load %arg7[%parallel_loop3A_122, %parallel_loop3A_123] {strides = array<i32>} : memref<200x128xf32, #tpu.memory_space<vmem>>, vector<16xf32>,
        tpu.vector_store %arg7[%parallel_loop3A_122, %parallel_loop3A_123], %parallel_loop3A_121 {strides = array<i32>} : memref<200x128xf32, #tpu.memory_space<vmem>>, vector<16xf32>,
      } {sc.loop_unroll_factor = 4 : i64, sc.parallel_access}
      %add3A_57 = arith.addi %mul3A_4, %mul3A_29 : i32
      %dma_start3A_58 = arith.constant 0 : i32
      %dma_start3A_59 = arith.constant 0 : i32
      %dma_start3A_60 = tpu.memref_slice %arg5[%add3A_57, %dma_start3A_58, %dma_start3A_59] : memref<1024x200x128xf32, #tpu.memory_space<hbm>> -> memref<1x200x128xf32, #tpu.memory_space<hbm>>
      %dma_start3A_61 = tpu.memref_squeeze %dma_start3A_60 : memref<1x200x128xf32, #tpu.memory_space<hbm>> -> memref<200x128xf32, #tpu.memory_space<hbm>>
      %dma_start3A_62 = arith.constant 0 : i32
      %dma_start3A_63 = arith.constant 0 : i32
      %dma_start3A_64 = tpu.memref_slice %arg5[%add3A_57, %dma_start3A_62, %dma_start3A_63] : memref<1024x200x128xf32, #tpu.memory_space<hbm>> -> memref<1x200x128xf32, #tpu.memory_space<hbm>>
      %dma_start3A_65 = tpu.memref_squeeze %dma_start3A_64 : memref<1x200x128xf32, #tpu.memory_space<hbm>> -> memref<200x128xf32, #tpu.memory_space<hbm>>
      tpu.enqueue_dma source(%arg7 : memref<200x128xf32, #tpu.memory_space<vmem>>) target(%dma_start3A_65 : memref<200x128xf32, #tpu.memory_space<hbm>>) target_semaphore(%arg12 : memref<!tpu.dma_semaphore, #tpu.memory_space<semaphore_mem>>)
      %dma_wait3A_66 = arith.constant 0 : i32
      %dma_wait3A_67 = tpu.memref_slice %arg6[%dma_wait3A_66] : memref<6400xi32, #tpu.memory_space<vmem>> -> memref<200xi32, #tpu.memory_space<vmem>>
      %dma_wait3A_68 = arith.constant 0 : i32
      %dma_wait3A_69 = arith.constant 0 : i32
      %dma_wait3A_70 = tpu.memref_slice %arg2[%dma_wait3A_68, %dma_wait3A_69] : memref<1000000x128xf32, #tpu.memory_space<hbm>> -> memref<1000000x128xf32, #tpu.memory_space<hbm>>
      tpu.wait_indirect_dma semaphore(%arg11 : memref<!tpu.dma_semaphore, #tpu.memory_space<semaphore_mem>>) src(%dma_wait3A_70 : memref<1000000x128xf32, #tpu.memory_space<hbm>>) dst(%arg8 : memref<200x128xf32, #tpu.memory_space<vmem>>)
      %parallel_loop3A_71 = arith.constant 0 : i32
      %parallel_loop3A_72 = arith.constant 200 : i32
      %parallel_loop3A_73 = arith.constant 1 : i32
      scf.for %parallel_loop3A_84 = %parallel_loop3A_71 to %parallel_loop3A_72 step %parallel_loop3A_73  : i32 {
        %parallel_loop3A_85 = arith.index_cast %parallel_loop3A_84 : i32 to index
        %parallel_loop3A_86 = arith.constant 0 : index
        %parallel_loop3A_87 = tpu.vector_load %arg8[%parallel_loop3A_85, %parallel_loop3A_86] {strides = array<i32>} : memref<200x128xf32, #tpu.memory_space<vmem>>, vector<16xf32>,
        %parallel_loop3A_88 = arith.index_cast %parallel_loop3A_84 : i32 to index
        %parallel_loop3A_89 = arith.constant 0 : index
        %parallel_loop3A_90 = tpu.vector_load %arg9[%parallel_loop3A_88, %parallel_loop3A_89] {strides = array<i32>} : memref<200x64xf32, #tpu.memory_space<vmem>>, vector<16xf32>,
        %parallel_loop3A_91 = arith.addf %parallel_loop3A_87, %parallel_loop3A_90 : vector<16xf32>
        %parallel_loop3A_92 = arith.index_cast %parallel_loop3A_84 : i32 to index
        %parallel_loop3A_93 = arith.constant 0 : index
        %parallel_loop3A_94 = tpu.vector_load %arg8[%parallel_loop3A_92, %parallel_loop3A_93] {strides = array<i32>} : memref<200x128xf32, #tpu.memory_space<vmem>>, vector<16xf32>,
        tpu.vector_store %arg8[%parallel_loop3A_92, %parallel_loop3A_93], %parallel_loop3A_91 {strides = array<i32>} : memref<200x128xf32, #tpu.memory_space<vmem>>, vector<16xf32>,
        %parallel_loop3A_95 = arith.index_cast %parallel_loop3A_84 : i32 to index
        %parallel_loop3A_96 = arith.constant 16 : index
        %parallel_loop3A_97 = tpu.vector_load %arg8[%parallel_loop3A_95, %parallel_loop3A_96] {strides = array<i32>} : memref<200x128xf32, #tpu.memory_space<vmem>>, vector<16xf32>,
        %parallel_loop3A_98 = arith.index_cast %parallel_loop3A_84 : i32 to index
        %parallel_loop3A_99 = arith.constant 16 : index
        %parallel_loop3A_100 = tpu.vector_load %arg9[%parallel_loop3A_98, %parallel_loop3A_99] {strides = array<i32>} : memref<200x64xf32, #tpu.memory_space<vmem>>, vector<16xf32>,
        %parallel_loop3A_101 = arith.addf %parallel_loop3A_97, %parallel_loop3A_100 : vector<16xf32>
        %parallel_loop3A_102 = arith.index_cast %parallel_loop3A_84 : i32 to index
        %parallel_loop3A_103 = arith.constant 16 : index
        %parallel_loop3A_104 = tpu.vector_load %arg8[%parallel_loop3A_102, %parallel_loop3A_103] {strides = array<i32>} : memref<200x128xf32, #tpu.memory_space<vmem>>, vector<16xf32>,
        tpu.vector_store %arg8[%parallel_loop3A_102, %parallel_loop3A_103], %parallel_loop3A_101 {strides = array<i32>} : memref<200x128xf32, #tpu.memory_space<vmem>>, vector<16xf32>,
        %parallel_loop3A_105 = arith.index_cast %parallel_loop3A_84 : i32 to index
        %parallel_loop3A_106 = arith.constant 32 : index
        %parallel_loop3A_107 = tpu.vector_load %arg8[%parallel_loop3A_105, %parallel_loop3A_106] {strides = array<i32>} : memref<200x128xf32, #tpu.memory_space<vmem>>, vector<16xf32>,
        %parallel_loop3A_108 = arith.index_cast %parallel_loop3A_84 : i32 to index
        %parallel_loop3A_109 = arith.constant 32 : index
        %parallel_loop3A_110 = tpu.vector_load %arg9[%parallel_loop3A_108, %parallel_loop3A_109] {strides = array<i32>} : memref<200x64xf32, #tpu.memory_space<vmem>>, vector<16xf32>,
        %parallel_loop3A_111 = arith.addf %parallel_loop3A_107, %parallel_loop3A_110 : vector<16xf32>
        %parallel_loop3A_112 = arith.index_cast %parallel_loop3A_84 : i32 to index
        %parallel_loop3A_113 = arith.constant 32 : index
        %parallel_loop3A_114 = tpu.vector_load %arg8[%parallel_loop3A_112, %parallel_loop3A_113] {strides = array<i32>} : memref<200x128xf32, #tpu.memory_space<vmem>>, vector<16xf32>,
        tpu.vector_store %arg8[%parallel_loop3A_112, %parallel_loop3A_113], %parallel_loop3A_111 {strides = array<i32>} : memref<200x128xf32, #tpu.memory_space<vmem>>, vector<16xf32>,
        %parallel_loop3A_115 = arith.index_cast %parallel_loop3A_84 : i32 to index
        %parallel_loop3A_116 = arith.constant 48 : index
        %parallel_loop3A_117 = tpu.vector_load %arg8[%parallel_loop3A_115, %parallel_loop3A_116] {strides = array<i32>} : memref<200x128xf32, #tpu.memory_space<vmem>>, vector<16xf32>,
        %parallel_loop3A_118 = arith.index_cast %parallel_loop3A_84 : i32 to index
        %parallel_loop3A_119 = arith.constant 48 : index
        %parallel_loop3A_120 = tpu.vector_load %arg9[%parallel_loop3A_118, %parallel_loop3A_119] {strides = array<i32>} : memref<200x64xf32, #tpu.memory_space<vmem>>, vector<16xf32>,
        %parallel_loop3A_121 = arith.addf %parallel_loop3A_117, %parallel_loop3A_120 : vector<16xf32>
        %parallel_loop3A_122 = arith.index_cast %parallel_loop3A_84 : i32 to index
        %parallel_loop3A_123 = arith.constant 48 : index
        %parallel_loop3A_124 = tpu.vector_load %arg8[%parallel_loop3A_122, %parallel_loop3A_123] {strides = array<i32>} : memref<200x128xf32, #tpu.memory_space<vmem>>, vector<16xf32>,
        tpu.vector_store %arg8[%parallel_loop3A_122, %parallel_loop3A_123], %parallel_loop3A_121 {strides = array<i32>} : memref<200x128xf32, #tpu.memory_space<vmem>>, vector<16xf32>,
      } {sc.loop_unroll_factor = 4 : i64, sc.parallel_access}
      %add3A_74 = arith.addi %mul3A_4, %add3A_31 : i32
      %dma_start3A_75 = arith.constant 0 : i32
      %dma_start3A_76 = arith.constant 0 : i32
      %dma_start3A_77 = tpu.memref_slice %arg5[%add3A_74, %dma_start3A_75, %dma_start3A_76] : memref<1024x200x128xf32, #tpu.memory_space<hbm>> -> memref<1x200x128xf32, #tpu.memory_space<hbm>>
      %dma_start3A_78 = tpu.memref_squeeze %dma_start3A_77 : memref<1x200x128xf32, #tpu.memory_space<hbm>> -> memref<200x128xf32, #tpu.memory_space<hbm>>
      %dma_start3A_79 = arith.constant 0 : i32
      %dma_start3A_80 = arith.constant 0 : i32
      %dma_start3A_81 = tpu.memref_slice %arg5[%add3A_74, %dma_start3A_79, %dma_start3A_80] : memref<1024x200x128xf32, #tpu.memory_space<hbm>> -> memref<1x200x128xf32, #tpu.memory_space<hbm>>
      %dma_start3A_82 = tpu.memref_squeeze %dma_start3A_81 : memref<1x200x128xf32, #tpu.memory_space<hbm>> -> memref<200x128xf32, #tpu.memory_space<hbm>>
      tpu.enqueue_dma source(%arg8 : memref<200x128xf32, #tpu.memory_space<vmem>>) target(%dma_start3A_82 : memref<200x128xf32, #tpu.memory_space<hbm>>) target_semaphore(%arg13 : memref<!tpu.dma_semaphore, #tpu.memory_space<semaphore_mem>>)
      %scan3A_83 = arith.constant 0 : i32
      scf.yield %scan3A_83 : i32
    }
    %scan3A_10 = arith.constant 16 : i32
    %dma_wait3A = arith.constant 0 : i32
    %dma_wait3A_11 = arith.constant 0 : i32
    %dma_wait3A_12 = tpu.memref_slice %arg5[%mul3A_4, %dma_wait3A, %dma_wait3A_11] : memref<1024x200x128xf32, #tpu.memory_space<hbm>> -> memref<1x200x128xf32, #tpu.memory_space<hbm>>
    %dma_wait3A_13 = tpu.memref_squeeze %dma_wait3A_12 : memref<1x200x128xf32, #tpu.memory_space<hbm>> -> memref<200x128xf32, #tpu.memory_space<hbm>>
    %dma_wait3A_14 = arith.constant 0 : i32
    %dma_wait3A_15 = arith.constant 0 : i32
    %dma_wait3A_16 = tpu.memref_slice %arg5[%mul3A_4, %dma_wait3A_14, %dma_wait3A_15] : memref<1024x200x128xf32, #tpu.memory_space<hbm>> -> memref<1x200x128xf32, #tpu.memory_space<hbm>>
    %dma_wait3A_17 = tpu.memref_squeeze %dma_wait3A_16 : memref<1x200x128xf32, #tpu.memory_space<hbm>> -> memref<200x128xf32, #tpu.memory_space<hbm>>
    tpu.wait_dma2 semaphore(%arg12 : memref<!tpu.dma_semaphore, #tpu.memory_space<semaphore_mem>>) src(%arg7 : memref<200x128xf32, #tpu.memory_space<vmem>>) dst(%dma_wait3A_17 : memref<200x128xf32, #tpu.memory_space<hbm>>)
    %dma_wait3A_18 = arith.constant 0 : i32
    %dma_wait3A_19 = arith.constant 0 : i32
    %dma_wait3A_20 = tpu.memref_slice %arg5[%mul3A_4, %dma_wait3A_18, %dma_wait3A_19] : memref<1024x200x128xf32, #tpu.memory_space<hbm>> -> memref<1x200x128xf32, #tpu.memory_space<hbm>>
    %dma_wait3A_21 = tpu.memref_squeeze %dma_wait3A_20 : memref<1x200x128xf32, #tpu.memory_space<hbm>> -> memref<200x128xf32, #tpu.memory_space<hbm>>
    %dma_wait3A_22 = arith.constant 0 : i32
    %dma_wait3A_23 = arith.constant 0 : i32
    %dma_wait3A_24 = tpu.memref_slice %arg5[%mul3A_4, %dma_wait3A_22, %dma_wait3A_23] : memref<1024x200x128xf32, #tpu.memory_space<hbm>> -> memref<1x200x128xf32, #tpu.memory_space<hbm>>
    %dma_wait3A_25 = tpu.memref_squeeze %dma_wait3A_24 : memref<1x200x128xf32, #tpu.memory_space<hbm>> -> memref<200x128xf32, #tpu.memory_space<hbm>>
    tpu.wait_dma2 semaphore(%arg13 : memref<!tpu.dma_semaphore, #tpu.memory_space<semaphore_mem>>) src(%arg8 : memref<200x128xf32, #tpu.memory_space<vmem>>) dst(%dma_wait3A_25 : memref<200x128xf32, #tpu.memory_space<hbm>>)
    return
  }
}

</mosaic_0001>

<sc_bundles>
// kernel: kernel.3.cloned.1.call-start
scs
__scs_entry_jumppad:
0x0: {  	(pc) =	sbr.rel $0x88, $3  }
0x1: {  	(tag) =	ssettag $0x0;
	lr =	simm.s32 $0x1  }
0x2: {  	[smem:$0x3F9E] =	sst lr;
	_ =	strace $0xD0000000  }
0x3: {  	_ = 	snop  }
0x4: {  	_ = 	snop  }
0x5: {  	_ = 	snop  }
0x6: {  	_ = 	snop  }
0x7: {  	_ = 	snop  }
__scs_overlays_trampoline_lowered:
0x8: {  	[smem:$0x3FAD] =	sst s0  }
0x9: {  	[smem:$0x3FAE] =	sst s1  }
0xa: {  	[smem:$0x3FAF] =	sst s2  }
0xb: {  	[smem:$0x3FB0] =	sst s3  }
0xc: {  	[smem:$0x3FB1] =	sst s4  }
0xd: {  	[smem:$0x3FB2] =	sst s5  }
0xe: {  	[smem:$0x3FB3] =	sst s6  }
0xf: {  	[smem:$0x3FB4] =	sst s7  }
0x10: {  	[smem:$0x3FB5] =	sst s8  }
0x11: {  	[smem:$0x3FB6] =	sst s9;
	s0 =	simm.s32 @!p0 $0x0  }
0x12: {  	s1 =	sld [smem:$0x3F9C];
	s0 =	simm.s32 @p0 $0x1  }
0x13: {  	[smem:$0x3FB7] =	sst s0;
	s0 =	simm.s32 @!p1 $0x0  }
0x14: {  	s2 =	sld [smem:$0x3F9B];
	s0 =	simm.s32 @p1 $0x1  }
0x15: {  	[smem:$0x3FB8] =	sst s0;
	s0 =	simm.s32 @!p2 $0x0  }
0x16: {  	s3 =	sld [smem:$0x3FDB];
	s0 =	simm.s32 @p2 $0x1  }
0x17: {  	s4 =	simm.s32 $0x1BF5;
	[smem:$0x3FBA] =	sst s0  }
0x18: {  	s0 =	sld [smem:$0x3F9D];
	_ =	swait.ge [sflag:s4], $0x0  }
0x19: {  	s7 =	sld [smem:$0x3F9E]  }
0x1a: {  	s8 =	sadd.s32 $0xFFFFE003, lr  }
0x1b: {  	s9 =	sadd.s32 $0xFFFFFEF7, lr;
	s5 =	simm.s32 $0xFFFFFFFF;
	p2 =	slt.u32 s8, $0xFFFFF086  }
0x1c: {  	p1 =	slt.u32 s9, $0xF7A;
	s5 =	simm.s32 @!p2 $0x0  }
0x1d: {  	s5 =	simm.s32 @p1 $0x1;
	p0 =	seq.s32 s7, s2  }
0x1e: {  	s7 =	smul.u32 @!p0 $0xF7A, s2;
	p2 =	seq.s32 @!p0 s5, $0x0  }
0x1f: {  	s9 =	smul.u32 $0xF7A, s1;
	s8 =	simm.s32 @!p0 $0x1BF5;
	p2 =	por !p2, p0  }
0x20: {  	[sflag:s8] =	ssyncset.s32 @!p0 $0xFFFFF086;
	s6 =	sadd.s32 @!p0 s3, s7;
	s7 =	simm.s32 @!p0 $0x108  }
0x21: {  	s3 =	sadd.s32 s3, s9;
	s6 =	sadd.s32 @!p0 $0x88, s6;
	s7 =	simm.s32 @p2 $0x1082  }
0x22: {  	[simem:s7], [sflag:s8] =	dma.local @!p0 [hbm:s6], $0xF7A  }
0x23: {  	s9 =	sor.u32 $0xD0000000, s2;
	s6 =	simm.s32 $0x108;
	_ =	swait.ge @!p0 [sflag:s8], $0x0  }
0x24: {  	s3 =	sadd.s32 $0x88, s3;
	s6 =	simm.s32 @!p1 $0x1082;
	[sflag:s4] =	ssyncset.s32 $0xFFFFF086  }
0x25: {  	[simem:s6], [sflag:s4] =	dma.local [hbm:s3], $0xF7A  }
0x26: {  	[smem:$0x3F9E] =	sst s1;
	(tag) =	ssettag s2;
	_ =	strace s9  }
0x27: {  	s1 =	sld [smem:$0x3FAE]  }
0x28: {  	s2 =	sld [smem:$0x3FAF]  }
0x29: {  	s4 =	sld [smem:$0x3FB1]  }
0x2a: {  	p0 =	seq.s32 s5, $0x0;
	s5 =	sld [smem:$0x3FB2]  }
0x2b: {  	s6 =	sld [smem:$0x3FB3]  }
0x2c: {  	s7 =	sld [smem:$0x3FB4]  }
0x2d: {  	s3 =	simm.s32 $0x108;
	s8 =	sld [smem:$0x3FB5]  }
0x2e: {  	s3 =	simm.s32 @!p0 $0x1082;
	s9 =	sld [smem:$0x3FB6]  }
0x2f: {  	lr =	sadd.s32 s0, s3;
	s0 =	sld [smem:$0x3FAD]  }
0x30: {  	s3 =	sld [smem:$0x3FB0]  }
0x31: {  	[smem:$0x3FB9] =	sst s10  }
0x32: {  	s10 =	sld [smem:$0x3FB7];
	_ =	sdelay $0x3  }
0x33: {  	p0 =	seq.s32 s10, $0x1;
	s10 =	sld [smem:$0x3FB9];
	_ =	sdelay $0x3  }
0x34: {  	[smem:$0x3FB9] =	sst s10  }
0x35: {  	s10 =	sld [smem:$0x3FB8];
	_ =	sdelay $0x3  }
0x36: {  	p1 =	seq.s32 s10, $0x1;
	s10 =	sld [smem:$0x3FB9];
	_ =	sdelay $0x3  }
0x37: {  	[smem:$0x3FB9] =	sst s10  }
0x38: {  	s10 =	sld [smem:$0x3FBA]  }
0x39: {  	_ = 	snop;
	(pc) =	sbr.ind lr, $3  }
0x3a: {  	_ = 	snop  }
0x3b: {  	_ = 	snop  }
0x3c: {  	p2 =	seq.s32 s10, $0x1;
	s10 =	sld [smem:$0x3FB9]  }
0x3d: {  	_ =	shalt  }
0x3e: {  	_ =	shalt  }
0x3f: {  	_ =	shalt  }
0x40: {  	_ =	shalt  }
0x41: {  	_ =	shalt  }
0x42: {  	_ =	shalt  }
0x43: {  	_ =	shalt  }
0x44: {  	_ =	shalt  }
0x45: {  	_ =	shalt  }
0x46: {  	_ =	shalt  }
0x47: {  	_ =	shalt  }
0x48: {  	_ =	shalt  }
0x49: {  	_ =	shalt  }
0x4a: {  	_ =	shalt  }
0x4b: {  	_ =	shalt  }
0x4c: {  	_ =	shalt  }
0x4d: {  	_ =	shalt  }
0x4e: {  	_ =	shalt  }
0x4f: {  	_ =	shalt  }
0x50: {  	_ =	shalt  }
0x51: {  	_ =	shalt  }
0x52: {  	_ =	shalt  }
0x53: {  	_ =	shalt  }
0x54: {  	_ =	shalt  }
0x55: {  	_ =	shalt  }
0x56: {  	_ =	shalt  }
0x57: {  	_ =	shalt  }
0x58: {  	_ =	shalt  }
0x59: {  	_ =	shalt  }
0x5a: {  	_ =	shalt  }
0x5b: {  	_ =	shalt  }
0x5c: {  	_ =	shalt  }
0x5d: {  	_ =	shalt  }
0x5e: {  	_ =	shalt  }
0x5f: {  	_ =	shalt  }
0x60: {  	_ =	shalt  }
0x61: {  	_ =	shalt  }
0x62: {  	_ =	shalt  }
0x63: {  	_ =	shalt  }
0x64: {  	_ =	shalt  }
0x65: {  	_ =	shalt  }
0x66: {  	_ =	shalt  }
0x67: {  	_ =	shalt  }
0x68: {  	_ =	shalt  }
0x69: {  	_ =	shalt  }
0x6a: {  	_ =	shalt  }
0x6b: {  	_ =	shalt  }
0x6c: {  	_ =	shalt  }
0x6d: {  	_ =	shalt  }
0x6e: {  	_ =	shalt  }
0x6f: {  	_ =	shalt  }
0x70: {  	_ =	shalt  }
0x71: {  	_ =	shalt  }
0x72: {  	_ =	shalt  }
0x73: {  	_ =	shalt  }
0x74: {  	_ =	shalt  }
0x75: {  	_ =	shalt  }
0x76: {  	_ =	shalt  }
0x77: {  	_ =	shalt  }
0x78: {  	_ =	shalt  }
0x79: {  	_ =	shalt  }
0x7a: {  	_ =	shalt  }
0x7b: {  	_ =	shalt  }
0x7c: {  	_ =	shalt  }
0x7d: {  	_ =	shalt  }
0x7e: {  	_ =	shalt  }
0x7f: {  	_ =	shalt  }
0x80: {  	_ =	shalt  }
0x81: {  	_ =	shalt  }
0x82: {  	_ =	shalt  }
0x83: {  	_ =	shalt  }
0x84: {  	_ =	shalt  }
0x85: {  	_ =	shalt  }
0x86: {  	_ =	shalt  }
0x87: {  	_ =	shalt  }
.Lfunc_end0:
.L_simem_size_0:
called_computation.1_lowered:
.L_overlay_start_0:
0x88: {  	s2 =	sld [smem:$0x3FD9]  }
0x89: {  	s3 =	sld [smem:$0x3FFE];
	_ =	sdelay $0x1  }
0x8a: {  	s1 =	srdreg.scid  }
0x8b: {  	s0 =	sand.u32 $0x1, s1  }
0x8c: {  	s17 =	sshll.u32 s0, $0xA;
	s2 =	sadd.s32 s3, s2  }
0x8d: {  	s2 =	sadd.s32 s2, s17  }
0x8e: {  	[smem:$0x3FC5] =	sst s2  }
0x8f: {  	_ = 	snop  }
0x90: {  	s2 =	sld [smem:$0x3FD0];
	(tm) =	ssettm $0x1  }
0x91: {  	s18 =	sld [smem:$0x3FFB];
	_ =	sdelay $0x3  }
0x92: {  	_ =	strace s18  }
0x93: {  	s3 =	sld [smem:$0x3FFC];
	_ =	sdelay $0x3  }
0x94: {  	_ =	strace s3  }
0x95: {  	s3 =	sld [smem:$0x3FFD];
	_ =	sdelay $0x3  }
0x96: {  	_ =	strace s3  }
0x97: {  	_ =	strace $0x8FFFFFFF  }
0x98: {  	s19 =	sld [smem:$0x3FDB];
	_ =	sdelay $0x1  }
0x99: {  	s4 =	simm.s32 $_scs_section_size  }
0x9a: {  	s5 =	simm.s32 $_size__tile_overlayer_lowered;
	s6 =	simm.s32 $_tile_overlayer_lowered  }
0x9b: {  	s22 =	simm.s32 $0x1BFF;
	s21 =	sshll.u32 s6, $0x1;
	s3 =	sadd.s32 s4, s19  }
0x9c: {  	s7 =	simm.s32 $0x0;
	s20 =	sshll.u32 s5, $0x1;
	s5 =	sadd.s32 s21, s3  }
0x9d: {  	[timem:s7], [sflag:s22] =	dma.local [hbm:s5], s20  }
0x9e: {  	_ =	swait.ge [sflag:s22], s20  }
0x9f: {  	s4 =	ssub.s32 $0x0, s20;
	[sflag:s22] =	ssyncset.done $0x0  }
0xa0: {  	[sflag:s22] =	ssyncadd.s32 s4;
	_ =	sdelay $0x1  }
0xa1: {  	s23 =	simm.s32 $0x1B8B  }
0xa2: {  	_ =	swait.ge [sflag:s23], $0x1  }
0xa3: {  	[sflag:s23] =	ssyncset.done $0x0  }
0xa4: {  	s25 =	simm.s32 $0x1B8E;
	s24 =	sld [smem:$0x3FFE];
	[sflag:s23] =	ssyncadd.s32 $0xFFFFFFFF  }
0xa5: {  	s26 =	simm.s32 $execute0_lowered;
	[smem:$0x3FD2] =	sst s25  }
0xa6: {  	s5 =	sshll.u32 s26, $0x1;
	_ =	strace $0x80000046;
	[dreg:$0x1] =	wrdreg $0xFFFFFFFF  }
0xa7: {  	s28 =	simm.s32 $_size_execute0_lowered;
	s3 =	sadd.s32 s3, s5;
	[dreg:$0x0] =	wrdreg $0x0  }
0xa8: {  	s5 =	sshll.u32 s28, $0x1;
	[dreg:$0x2] =	wrdreg s3  }
0xa9: {  	[dreg:$0x3] =	wrdreg s5  }
0xaa: {  	[dreg:$0x4] =	wrdreg $0xC0  }
0xab: {  	_ =	task [dreg:s7], $0x5FFFF  }
0xac: {  	[dreg:$0x1] =	wrdreg $0xFFFFFFFF  }
0xad: {  	[dreg:$0x0] =	wrdreg $0x60  }
0xae: {  	[dreg:$0x2] =	wrdreg s24  }
0xaf: {  	[dreg:$0x3] =	wrdreg s2  }
0xb0: {  	[dreg:$0x4] =	wrdreg $0x9  }
0xb1: {  	_ =	task.clear_ibuf [dreg:s7], $0x5FFFF;
	_ =	strace $0x90000046  }
0xb2: {  	s29 =	simm.s32 $0x9;
	_ =	strace $0x80000048  }
0xb3: {  	_ =	swait.ge [sflag:s29], $0x1  }
0xb4: {  	[sflag:s29] =	ssyncadd.s32 $0xFFFFFFFF  }
0xb5: {  	_ =	strace $0x90000048  }
0xb6: {  	_ =	sfence  }
0xb7: {  	s30 =	sld [smem:$0x0];
	_ =	sdelay $0x2  }
0xb8: {  	s31 =	sshll.u32 s1, $0xD;
	s1 =	sshrl.u32 s1, $0x2  }
0xb9: {  	s3 =	sand.u32 $0x4000, s31;
	s1 =	sadd.s32 s1, s30  }
0xba: {  	s0 =	sor.u32 s3, s0;
	s1 =	sshll.u32 s1, $0x11  }
0xbb: {  	s0 =	sor.u32 s1, s0  }
0xbc: {  	s0 =	sadd.s32 $0x8F2B, s0  }
0xbd: {  	[sflag:s0] =	ssyncadd.remote.s32 $0x1  }
0xbe: {  	_ =	sfence.sel $0xFFFF  }
0xbf: {  	[dreg:$0x0] =	wrdreg $0xFFFFFFFF;
	(pc) =	sbr.abs _section_cstart, $3  }
0xc0: {  	[dreg:$0x1] =	wrdreg $0xFFFFFFFF  }
0xc1: {  	_ =	task.clear_ibuf [dreg:s7], $0x2FFFF;
	_ =	strace $0x9FFFFFFF  }
0xc2: {  	(tm) =	ssettm $0x7FFFFFFF  }
0xc3: {  	_ =	shalt  }
tec
execute0_lowered:
.L_overlay_start_1:
0x0: {  	(tag) =	ssettag $0x1  }
0x1: {  	s5 =	rddreg [dreg:$0x0]  }
0x2: {  	s7 =	rddreg [dreg:$0x1]  }
0x3: {  	s0 =	rddreg [dreg:$0x2];
	s2 =	simm.s32 $0x0  }
0x4: {  	s3 =	srdreg.scid;
	s1 =	stileid.u32;
	s11 =	simm.s32 $0xC8  }
0x5: {  	s12 =	simm.s32 $0x7D00;
	s13 =	simm.s32 $0x1;
	s14 =	simm.s32 $0x1900  }
0x6: {  	s15 =	simm.s32 $0x2;
	s16 =	simm.s32 $0x3;
	s17 =	simm.s32 $0x4  }
0x7: {  	s18 =	simm.s32 $0x0;
	[smem:$0x7FF] =	sst s2;
	s4 =	sand.u32 $0x1, s3  }
0x8: {  	s6 =	sshll.u32 s1, $0x1;
	s3 =	sadd.s32 $0xF43800, s5;
	_ =	strace $0x80000047  }
0x9: {  	s8 =	ssub.s32 $0x2, s4;
	s6 =	sor.u32 s4, s6;
	s4 =	sadd.s32 $0xF43000, s5  }
0xa: {  	s5 =	sadd.s32 $0xC00, s5;
	s9 =	sshrl.u32 s8, $0x1;
	s10 =	smul.u32 $0x320, s6  }
0xb: {  	s6 =	sshll.u32 s6, $0x5;
	s8 =	ssub.s32 s8, s9;
	s9 =	simm.s32 $0x5  }
0xc: {  	s7 =	sadd.s32 s7, s10;
	s8 =	smax.u32 s8, $0x1;
	s10 =	simm.s32 $0xE100  }
.LBB2_1:
0xd: {  	[tilespmem:s2], [sflag:$0x5] =	stream.linear.gather [hbm4b:s7+s2], $0x1900, $0x38;
	[tilespmem:$0x11300] =	vst v63  }
0xe: {  	_ =	swait.ge [sflag:s9], $0x1900  }
0xf: {  	[sflag:s9] =	ssyncset.done $0x0  }
0x10: {  	[sflag:s9] =	ssyncadd.s32 $0xFFFFE700  }
0x11: {  	[tilespmem:s10], [sflag:$0x5] =	stream.linear.gather [hbm4b:s4+s2], $0x3200, $0x38;
	[tilespmem:$0x11300] =	vst v63  }
0x12: {  	_ =	swait.ge [sflag:s9], $0x3200  }
0x13: {  	[sflag:s9] =	ssyncset.done $0x0  }
0x14: {  	s19 =	simm.s32 $0x0;
	[sflag:s9] =	ssyncadd.s32 $0xFFFFCE00  }
.LBB2_2:
0x15: {  	p0 =	seq.s32 s19, $0x0  }
0x16: {  	s20 =	simm.s32 @p0 $0xC8;
	s21 =	simm.s32 @p0 $0x0;
	s22 =	simm.s32 @p0 $0x1900  }
0x17: {  	[tilespmem:s22], [sflag:$0x1] =	stream.indirect.gather @p0 [hbm4b:s3+s20], $0x80, s21, s20, $0xb8;
	[tilespmem:$0x11300] =	vst v63  }
0x18: {  	s20 =	simm.s32 @!p0 $0x3  }
0x19: {  	s21 =	smul.u32 @!p0 $0x640, s19;
	_ =	swait.ge @!p0 [sflag:s20], $0x6400  }
0x1a: {  	s22 =	simm.s32 @!p0 $0x1900;
	[sflag:s20] =	ssyncset.done @!p0 $0x0  }
0x1b: {  	[sflag:s20] =	ssyncadd.s32 @!p0 $0xFFFF9C00;
	s20 =	sshra.s32 @!p0 s21, $0x2;
	s21 =	simm.s32 @!p0 $0xC8  }
0x1c: {  	[tilespmem:s22], [sflag:$0x1] =	stream.indirect.gather @!p0 [hbm4b:s3+s21], $0x80, s20, s21, $0xb8;
	[tilespmem:$0x11300] =	vst v63  }
0x1d: {  	s20 =	sshllo.u32 s19, $0x1;
	s21 =	simm.s32 @!p0 $0x4  }
0x1e: {  	_ =	swait.ge @!p0 [sflag:s21], $0x6400;
	s30 =	smul.u32 $0x320, s20  }
0x1f: {  	[sflag:s21] =	ssyncset.done @!p0 $0x0  }
0x20: {  	[sflag:s21] =	ssyncadd.s32 @!p0 $0xFFFF9C00;
	s31 =	sshra.s32 s30, $0x2  }
0x21: {  	[tilespmem:s12], [sflag:$0x2] =	stream.indirect.gather [hbm4b:s3+s11], $0x80, s31, s11, $0xb8;
	[tilespmem:$0x11300] =	vst v63  }
0x22: {  	_ =	swait.ge [sflag:s13], $0x6400  }
0x23: {  	[sflag:s13] =	ssyncset.done $0x0  }
0x24: {  	s21 =	simm.s32 $0x1A00;
	[sflag:s13] =	ssyncadd.s32 $0xFFFF9C00  }
0x25: {  	s22 =	simm.s32 $0xE180;
	v0 =	vld [tilespmem:s21+$0x80]  }
0x26: {  	v1 =	vld [tilespmem:s22+$0x40]  }
0x27: {  	v2 =	vld [tilespmem:s21+$0xFFFFFF80]  }
0x28: {  	v3 =	vld [tilespmem:s22+$0xFFFFFFC0]  }
0x29: {  	v4 =	vld [tilespmem:s21+$0x0]  }
0x2a: {  	v5 =	vld [tilespmem:s22+$0x0]  }
0x2b: {  	v6 =	vld [tilespmem:s21+$0xFFFFFF00];
	v0 =	vadd.f32 v1, v0  }
0x2c: {  	v1 =	vld [tilespmem:s22+$0xFFFFFF80]  }
0x2d: {  	[tilespmem:s21+$0x80] =	vst v0;
	v0 =	vld [tilespmem:s21+$0x90]  }
0x2e: {  	v2 =	vadd.f32 v3, v2;
	v3 =	vld [tilespmem:s22+$0x50]  }
0x2f: {  	v7 =	vld [tilespmem:s21+$0xFFFFFF10]  }
0x30: {  	[tilespmem:s21+$0xFFFFFF80] =	vst v2;
	v2 =	vadd.f32 v5, v4;
	v4 =	vld [tilespmem:s21+$0xFFFFFF90]  }
0x31: {  	v5 =	vld [tilespmem:s22+$0xFFFFFFD0];
	v1 =	vadd.f32 v1, v6  }
0x32: {  	[tilespmem:s21+$0x0] =	vst v2;
	v2 =	vld [tilespmem:s21+$0x10]  }
0x33: {  	v6 =	vld [tilespmem:s22+$0x10];
	[tilespmem:s21+$0xFFFFFF00] =	vst v1;
	v0 =	vadd.f32 v3, v0  }
0x34: {  	v1 =	vld [tilespmem:s22+$0xFFFFFF90]  }
0x35: {  	[tilespmem:s21+$0x90] =	vst v0;
	v0 =	vld [tilespmem:s21+$0xA0]  }
0x36: {  	v3 =	vadd.f32 v5, v4;
	v4 =	vld [tilespmem:s22+$0x60]  }
0x37: {  	v5 =	vld [tilespmem:s21+$0xFFFFFF20]  }
0x38: {  	[tilespmem:s21+$0xFFFFFF90] =	vst v3;
	v2 =	vadd.f32 v6, v2;
	v3 =	vld [tilespmem:s21+$0xFFFFFFA0]  }
0x39: {  	v6 =	vld [tilespmem:s22+$0xFFFFFFE0];
	v1 =	vadd.f32 v1, v7  }
0x3a: {  	[tilespmem:s21+$0x10] =	vst v2;
	v2 =	vld [tilespmem:s21+$0x20]  }
0x3b: {  	v7 =	vld [tilespmem:s22+$0x20];
	[tilespmem:s21+$0xFFFFFF10] =	vst v1;
	v0 =	vadd.f32 v4, v0  }
0x3c: {  	v4 =	vld [tilespmem:s22+$0xFFFFFFA0]  }
0x3d: {  	v8 =	vld [tilespmem:s21+$0xB0];
	[tilespmem:s21+$0xA0] =	vst v0  }
0x3e: {  	v1 =	vadd.f32 v6, v3;
	v6 =	vld [tilespmem:s22+$0x70]  }
0x3f: {  	v0 =	vld [tilespmem:s21+$0xFFFFFF30]  }
0x40: {  	[tilespmem:s21+$0xFFFFFFA0] =	vst v1;
	v2 =	vadd.f32 v7, v2;
	v1 =	vld [tilespmem:s21+$0xFFFFFFB0]  }
0x41: {  	v3 =	vld [tilespmem:s22+$0xFFFFFFF0];
	v4 =	vadd.f32 v4, v5  }
0x42: {  	[tilespmem:s21+$0x20] =	vst v2;
	v2 =	vld [tilespmem:s21+$0x30]  }
0x43: {  	[tilespmem:s21+$0xFFFFFF20] =	vst v4;
	v4 =	vld [tilespmem:s22+$0x30];
	v6 =	vadd.f32 v6, v8  }
0x44: {  	s23 =	sshll.u32 s19, $0x1;
	s24 =	simm.s32 $0x0;
	s25 =	simm.s32 $0x1C00;
	v5 =	vld [tilespmem:s22+$0xFFFFFFB0]  }
.LBB2_3:
0x45: {  	v7 =	vld [tilespmem:s25+$0x80];
	[tilespmem:s21+$0xB0] =	vst v6;
	s22 =	sadd.s32 $0x100, s22  }
0x46: {  	s24 =	sadd.s32 $0x4, s24;
	v6 =	vld [tilespmem:s22+$0x40];
	v1 =	vadd.f32 v3, v1  }
0x47: {  	p0 =	slt.u32 s24, $0xC4;
	v3 =	vld [tilespmem:s22+$0xFFFFFF80]  }
0x48: {  	v8 =	vld [tilespmem:s25+$0xFFFFFF80];
	[tilespmem:s21+$0xFFFFFFB0] =	vst v1;
	v1 =	vadd.f32 v4, v2  }
0x49: {  	v2 =	vld [tilespmem:s22+$0xFFFFFFC0];
	v0 =	vadd.f32 v5, v0  }
0x4a: {  	v4 =	vld [tilespmem:s25+$0x0];
	[tilespmem:s21+$0x30] =	vst v1  }
0x4b: {  	v1 =	vld [tilespmem:s22+$0x0];
	v5 =	vadd.f32 v6, v7;
	[tilespmem:s21+$0xFFFFFF30] =	vst v0;
	s21 =	smov.u32 s25  }
0x4c: {  	v0 =	vld [tilespmem:s25+$0xFFFFFF00]  }
0x4d: {  	[tilespmem:s25+$0x80] =	vst v5;
	v5 =	vld [tilespmem:s25+$0x90]  }
0x4e: {  	v2 =	vadd.f32 v2, v8;
	v6 =	vld [tilespmem:s22+$0x50]  }
0x4f: {  	v7 =	vld [tilespmem:s25+$0xFFFFFF10]  }
0x50: {  	[tilespmem:s25+$0xFFFFFF80] =	vst v2;
	v2 =	vld [tilespmem:s25+$0xFFFFFF90];
	v1 =	vadd.f32 v1, v4  }
0x51: {  	v0 =	vadd.f32 v3, v0;
	v3 =	vld [tilespmem:s22+$0xFFFFFFD0]  }
0x52: {  	[tilespmem:s25+$0x0] =	vst v1;
	v1 =	vld [tilespmem:s25+$0x10]  }
0x53: {  	[tilespmem:s25+$0xFFFFFF00] =	vst v0;
	v0 =	vld [tilespmem:s22+$0x10];
	v4 =	vadd.f32 v6, v5  }
0x54: {  	v5 =	vld [tilespmem:s22+$0xFFFFFF90]  }
0x55: {  	[tilespmem:s25+$0x90] =	vst v4;
	v4 =	vld [tilespmem:s25+$0xA0]  }
0x56: {  	v2 =	vadd.f32 v3, v2;
	v3 =	vld [tilespmem:s22+$0x60]  }
0x57: {  	v6 =	vld [tilespmem:s25+$0xFFFFFF20]  }
0x58: {  	[tilespmem:s25+$0xFFFFFF90] =	vst v2;
	v2 =	vld [tilespmem:s25+$0xFFFFFFA0];
	v0 =	vadd.f32 v0, v1  }
0x59: {  	v1 =	vadd.f32 v5, v7;
	v5 =	vld [tilespmem:s22+$0xFFFFFFE0]  }
0x5a: {  	[tilespmem:s25+$0x10] =	vst v0;
	v7 =	vld [tilespmem:s25+$0x20]  }
0x5b: {  	[tilespmem:s25+$0xFFFFFF10] =	vst v1;
	v8 =	vld [tilespmem:s22+$0x20];
	v0 =	vadd.f32 v3, v4  }
0x5c: {  	v3 =	vld [tilespmem:s22+$0xFFFFFFA0]  }
0x5d: {  	[tilespmem:s25+$0xA0] =	vst v0;
	v9 =	vld [tilespmem:s25+$0xB0]  }
0x5e: {  	v1 =	vadd.f32 v5, v2;
	v5 =	vld [tilespmem:s22+$0x70]  }
0x5f: {  	v0 =	vld [tilespmem:s25+$0xFFFFFF30]  }
.Ltmp0:
0x60: {  	[tilespmem:s25+$0xFFFFFFA0] =	vst v1;
	v1 =	vld [tilespmem:s25+$0xFFFFFFB0];
	v2 =	vadd.f32 v8, v7;
	(pc) =	sbr.rel @p0 .LBB2_3-.Ltmp0, $4  }
0x61: {  	v4 =	vadd.f32 v3, v6;
	v3 =	vld [tilespmem:s22+$0xFFFFFFF0]  }
0x62: {  	[tilespmem:s25+$0x20] =	vst v2;
	v2 =	vld [tilespmem:s25+$0x30]  }
0x63: {  	[tilespmem:s25+$0xFFFFFF20] =	vst v4;
	v4 =	vld [tilespmem:s22+$0x30];
	v6 =	vadd.f32 v5, v9  }
0x64: {  	s25 =	sadd.s32 $0x200, s25;
	v5 =	vld [tilespmem:s22+$0xFFFFFFB0]  }
0x65: {  	_ =	sdelay $0x1  }
0x66: {  	v1 =	vadd.f32 v3, v1  }
0x67: {  	[tilespmem:s21+$0xB0] =	vst v6;
	s22 =	sadd.s32 s6, s23;
	v2 =	vadd.f32 v4, v2  }
0x68: {  	s22 =	smul.u32 $0xC80, s22;
	[tilespmem:s21+$0xFFFFFFB0] =	vst v1;
	v0 =	vadd.f32 v5, v0  }
0x69: {  	[tilespmem:s21+$0x30] =	vst v2  }
0x6a: {  	s31 =	sadd.s32 s5, s22;
	[tilespmem:s21+$0xFFFFFF30] =	vst v0  }
0x6b: {  	[hbm4b:s31+s2] =	stream.linear.scatter [tilespmem:s14], [sflag:$0x3], $0x6400, $0x38;
	[tilespmem:$0x11300] =	vst v63  }
0x6c: {  	_ =	swait.ge [sflag:s15], $0x6400  }
0x6d: {  	[sflag:s15] =	ssyncset.done $0x0  }
0x6e: {  	s21 =	simm.s32 $0x7E00;
	[sflag:s15] =	ssyncadd.s32 $0xFFFF9C00  }
0x6f: {  	s22 =	simm.s32 $0xE180;
	v0 =	vld [tilespmem:s21+$0x80]  }
0x70: {  	v1 =	vld [tilespmem:s22+$0x40]  }
0x71: {  	v2 =	vld [tilespmem:s21+$0xFFFFFF80]  }
0x72: {  	v3 =	vld [tilespmem:s22+$0xFFFFFFC0]  }
0x73: {  	v4 =	vld [tilespmem:s21+$0x0]  }
0x74: {  	v5 =	vld [tilespmem:s22+$0x0]  }
0x75: {  	v6 =	vld [tilespmem:s21+$0xFFFFFF00];
	v0 =	vadd.f32 v1, v0  }
0x76: {  	v1 =	vld [tilespmem:s22+$0xFFFFFF80]  }
0x77: {  	[tilespmem:s21+$0x80] =	vst v0;
	v0 =	vld [tilespmem:s21+$0x90]  }
0x78: {  	v2 =	vadd.f32 v3, v2;
	v3 =	vld [tilespmem:s22+$0x50]  }
0x79: {  	v7 =	vld [tilespmem:s21+$0xFFFFFF10]  }
0x7a: {  	[tilespmem:s21+$0xFFFFFF80] =	vst v2;
	v2 =	vadd.f32 v5, v4;
	v4 =	vld [tilespmem:s21+$0xFFFFFF90]  }
0x7b: {  	v5 =	vld [tilespmem:s22+$0xFFFFFFD0];
	v1 =	vadd.f32 v1, v6  }
0x7c: {  	[tilespmem:s21+$0x0] =	vst v2;
	v2 =	vld [tilespmem:s21+$0x10]  }
0x7d: {  	v6 =	vld [tilespmem:s22+$0x10];
	[tilespmem:s21+$0xFFFFFF00] =	vst v1;
	v0 =	vadd.f32 v3, v0  }
0x7e: {  	v1 =	vld [tilespmem:s22+$0xFFFFFF90]  }
0x7f: {  	[tilespmem:s21+$0x90] =	vst v0;
	v0 =	vld [tilespmem:s21+$0xA0]  }
0x80: {  	v3 =	vadd.f32 v5, v4;
	v4 =	vld [tilespmem:s22+$0x60]  }
0x81: {  	v5 =	vld [tilespmem:s21+$0xFFFFFF20]  }
0x82: {  	[tilespmem:s21+$0xFFFFFF90] =	vst v3;
	v2 =	vadd.f32 v6, v2;
	v3 =	vld [tilespmem:s21+$0xFFFFFFA0]  }
0x83: {  	v6 =	vld [tilespmem:s22+$0xFFFFFFE0];
	v1 =	vadd.f32 v1, v7  }
0x84: {  	[tilespmem:s21+$0x10] =	vst v2;
	v2 =	vld [tilespmem:s21+$0x20]  }
0x85: {  	v7 =	vld [tilespmem:s22+$0x20];
	[tilespmem:s21+$0xFFFFFF10] =	vst v1;
	v0 =	vadd.f32 v4, v0  }
0x86: {  	v4 =	vld [tilespmem:s22+$0xFFFFFFA0]  }
0x87: {  	v8 =	vld [tilespmem:s21+$0xB0];
	[tilespmem:s21+$0xA0] =	vst v0  }
0x88: {  	v1 =	vadd.f32 v6, v3;
	v6 =	vld [tilespmem:s22+$0x70]  }
0x89: {  	v0 =	vld [tilespmem:s21+$0xFFFFFF30]  }
0x8a: {  	[tilespmem:s21+$0xFFFFFFA0] =	vst v1;
	v2 =	vadd.f32 v7, v2;
	v1 =	vld [tilespmem:s21+$0xFFFFFFB0]  }
0x8b: {  	v3 =	vld [tilespmem:s22+$0xFFFFFFF0];
	v4 =	vadd.f32 v4, v5  }
0x8c: {  	[tilespmem:s21+$0x20] =	vst v2;
	v2 =	vld [tilespmem:s21+$0x30]  }
0x8d: {  	[tilespmem:s21+$0xFFFFFF20] =	vst v4;
	v4 =	vld [tilespmem:s22+$0x30];
	v6 =	vadd.f32 v6, v8  }
0x8e: {  	s23 =	simm.s32 $0x0;
	s24 =	simm.s32 $0x8000;
	v5 =	vld [tilespmem:s22+$0xFFFFFFB0]  }
.LBB2_5:
0x8f: {  	v7 =	vld [tilespmem:s24+$0x80];
	[tilespmem:s21+$0xB0] =	vst v6;
	s22 =	sadd.s32 $0x100, s22  }
0x90: {  	s23 =	sadd.s32 $0x4, s23;
	v6 =	vld [tilespmem:s22+$0x40];
	v1 =	vadd.f32 v3, v1  }
0x91: {  	p0 =	slt.u32 s23, $0xC4;
	v3 =	vld [tilespmem:s22+$0xFFFFFF80]  }
0x92: {  	v8 =	vld [tilespmem:s24+$0xFFFFFF80];
	[tilespmem:s21+$0xFFFFFFB0] =	vst v1;
	v1 =	vadd.f32 v4, v2  }
0x93: {  	v2 =	vld [tilespmem:s22+$0xFFFFFFC0];
	v0 =	vadd.f32 v5, v0  }
0x94: {  	v4 =	vld [tilespmem:s24+$0x0];
	[tilespmem:s21+$0x30] =	vst v1  }
0x95: {  	v1 =	vld [tilespmem:s22+$0x0];
	v5 =	vadd.f32 v6, v7;
	[tilespmem:s21+$0xFFFFFF30] =	vst v0;
	s21 =	smov.u32 s24  }
0x96: {  	v0 =	vld [tilespmem:s24+$0xFFFFFF00]  }
0x97: {  	[tilespmem:s24+$0x80] =	vst v5;
	v5 =	vld [tilespmem:s24+$0x90]  }
0x98: {  	v2 =	vadd.f32 v2, v8;
	v6 =	vld [tilespmem:s22+$0x50]  }
0x99: {  	v7 =	vld [tilespmem:s24+$0xFFFFFF10]  }
0x9a: {  	[tilespmem:s24+$0xFFFFFF80] =	vst v2;
	v2 =	vld [tilespmem:s24+$0xFFFFFF90];
	v1 =	vadd.f32 v1, v4  }
0x9b: {  	v0 =	vadd.f32 v3, v0;
	v3 =	vld [tilespmem:s22+$0xFFFFFFD0]  }
0x9c: {  	[tilespmem:s24+$0x0] =	vst v1;
	v1 =	vld [tilespmem:s24+$0x10]  }
0x9d: {  	[tilespmem:s24+$0xFFFFFF00] =	vst v0;
	v0 =	vld [tilespmem:s22+$0x10];
	v4 =	vadd.f32 v6, v5  }
0x9e: {  	v5 =	vld [tilespmem:s22+$0xFFFFFF90]  }
0x9f: {  	[tilespmem:s24+$0x90] =	vst v4;
	v4 =	vld [tilespmem:s24+$0xA0]  }
0xa0: {  	v2 =	vadd.f32 v3, v2;
	v3 =	vld [tilespmem:s22+$0x60]  }
0xa1: {  	v6 =	vld [tilespmem:s24+$0xFFFFFF20]  }
0xa2: {  	[tilespmem:s24+$0xFFFFFF90] =	vst v2;
	v2 =	vld [tilespmem:s24+$0xFFFFFFA0];
	v0 =	vadd.f32 v0, v1  }
0xa3: {  	v1 =	vadd.f32 v5, v7;
	v5 =	vld [tilespmem:s22+$0xFFFFFFE0]  }
0xa4: {  	[tilespmem:s24+$0x10] =	vst v0;
	v7 =	vld [tilespmem:s24+$0x20]  }
0xa5: {  	[tilespmem:s24+$0xFFFFFF10] =	vst v1;
	v8 =	vld [tilespmem:s22+$0x20];
	v0 =	vadd.f32 v3, v4  }
0xa6: {  	v3 =	vld [tilespmem:s22+$0xFFFFFFA0]  }
0xa7: {  	[tilespmem:s24+$0xA0] =	vst v0;
	v9 =	vld [tilespmem:s24+$0xB0]  }
0xa8: {  	v1 =	vadd.f32 v5, v2;
	v5 =	vld [tilespmem:s22+$0x70]  }
0xa9: {  	v0 =	vld [tilespmem:s24+$0xFFFFFF30]  }
.Ltmp1:
0xaa: {  	[tilespmem:s24+$0xFFFFFFA0] =	vst v1;
	v1 =	vld [tilespmem:s24+$0xFFFFFFB0];
	v2 =	vadd.f32 v8, v7;
	(pc) =	sbr.rel @p0 .LBB2_5-.Ltmp1, $4  }
0xab: {  	v4 =	vadd.f32 v3, v6;
	v3 =	vld [tilespmem:s22+$0xFFFFFFF0]  }
0xac: {  	[tilespmem:s24+$0x20] =	vst v2;
	v2 =	vld [tilespmem:s24+$0x30]  }
0xad: {  	[tilespmem:s24+$0xFFFFFF20] =	vst v4;
	v4 =	vld [tilespmem:s22+$0x30];
	v6 =	vadd.f32 v5, v9  }
0xae: {  	s24 =	sadd.s32 $0x200, s24;
	v5 =	vld [tilespmem:s22+$0xFFFFFFB0]  }
0xaf: {  	_ = 	snop  }
0xb0: {  	s19 =	sadd.s32 $0x1, s19  }
0xb1: {  	v1 =	vadd.f32 v3, v1;
	p0 =	sne.s32 s19, $0x10  }
.Ltmp2:
0xb2: {  	[tilespmem:s21+$0xB0] =	vst v6;
	s20 =	sadd.s32 s6, s20;
	v2 =	vadd.f32 v4, v2;
	(pc) =	sbr.rel @p0 .LBB2_2-.Ltmp2, $4  }
0xb3: {  	s20 =	smul.u32 $0xC80, s20;
	[tilespmem:s21+$0xFFFFFFB0] =	vst v1;
	v0 =	vadd.f32 v5, v0  }
0xb4: {  	[tilespmem:s21+$0x30] =	vst v2  }
0xb5: {  	s20 =	sadd.s32 s5, s20;
	[tilespmem:s21+$0xFFFFFF30] =	vst v0  }
0xb6: {  	[hbm4b:s20+s2] =	stream.linear.scatter [tilespmem:s12], [sflag:$0x4], $0x6400, $0x38;
	[tilespmem:$0x11300] =	vst v63  }
0xb7: {  	s18 =	sadd.s32 $0x1, s18  }
0xb8: {  	_ =	swait.ge [sflag:s16], $0x6400;
	p0 =	sne.s32 s18, s8  }
.Ltmp3:
0xb9: {  	[sflag:s16] =	ssyncset.done $0x0;
	(pc) =	sbr.rel @p0 .LBB2_1-.Ltmp3, $4  }
0xba: {  	[sflag:s16] =	ssyncadd.s32 $0xFFFF9C00  }
0xbb: {  	_ =	swait.ge [sflag:s17], $0x6400  }
0xbc: {  	[sflag:s17] =	ssyncset.done $0x0  }
0xbd: {  	[sflag:s17] =	ssyncadd.s32 $0xFFFF9C00  }
0xbe: {  	_ =	sfence.sel $0x180000  }
0xbf: {  	[bflag:$0x0] =	sbarrier.arrive $0xFFFF  }
0xc0: {  	p0 =	sne.s32 s1, $0x0;
	_ =	strace $0x90000047  }
0xc1: {  	s0 =	sadd.s32 @!p0 $0x100000, s0;
	[bflag:$0x2] =	sbarrier.arrive $0xFFFF  }
0xc2: {  	[sflag:s0] =	ssyncadd.tile.s32 @!p0 $0x1;
	_ =	shalt  }
.Lfunc_end2:
_tile_overlayer_lowered:
.L_overlay_start_2:
0xc3: {  	(tag) =	ssettag $0x2  }
0xc4: {  	s0 =	rddreg [dreg:$0x0];
	s2 =	stileid.u32  }
0xc5: {  	s1 =	rddreg [dreg:$0x1];
	p0 =	sne.s32 s2, $0x0  }
0xc6: {  	s3 =	rddreg [dreg:$0x2];
	[bflag:$0x3] =	sbarrier.arrive $0xFFFF;
	s2 =	simm.s32 @!p0 $0x1C05  }
0xc7: {  	[timem:s3], [sflag:s2] =	dma.local @!p0 [hbm:s0], s1  }
0xc8: {  	s0 =	simm.s32 @!p0 $0x5  }
0xc9: {  	_ =	swait.ge @!p0 [sflag:s0], s1  }
0xca: {  	s1 =	ssub.s32 @!p0 $0x0, s1;
	[sflag:s0] =	ssyncset.done @!p0 $0x0  }
0xcb: {  	[sflag:s0] =	ssyncadd.s32 @!p0 s1  }
0xcc: {  	[bflag:$0x3] =	sbarrier.arrive $0xFFFF  }
0xcd: {  	_ =	shalt  }

// kernel: sparse-core-data-format-call.cloned.1.call-start
scs
called_computation_lowered:
.L_overlay_start_0:
0x0: {  	s2 =	sld [smem:$0x3FD9]  }
0x1: {  	s3 =	sld [smem:$0x3FFE];
	_ =	sdelay $0x1  }
0x2: {  	s1 =	srdreg.scid  }
0x3: {  	s0 =	sand.u32 $0x1, s1  }
0x4: {  	s18 =	sshll.u32 s0, $0xA;
	s2 =	sadd.s32 s3, s2  }
0x5: {  	s2 =	sadd.s32 s2, s18  }
0x6: {  	[smem:$0x3FC5] =	sst s2  }
0x7: {  	_ = 	snop  }
0x8: {  	s2 =	sld [smem:$0x3FD0];
	(tm) =	ssettm $0x1  }
0x9: {  	s19 =	sld [smem:$0x3FFB];
	_ =	sdelay $0x3  }
0xa: {  	_ =	strace s19  }
0xb: {  	s3 =	sld [smem:$0x3FFC];
	_ =	sdelay $0x3  }
0xc: {  	_ =	strace s3  }
0xd: {  	s3 =	sld [smem:$0x3FFD];
	_ =	sdelay $0x3  }
0xe: {  	_ =	strace s3  }
0xf: {  	_ =	strace $0x8FFFFFFF  }
0x10: {  	s20 =	sld [smem:$0x3FDB];
	_ =	sdelay $0x1  }
0x11: {  	s4 =	simm.s32 $_scs_section_size  }
0x12: {  	s5 =	simm.s32 $_size__tile_overlayer_lowered;
	s6 =	simm.s32 $_tile_overlayer_lowered  }
0x13: {  	s23 =	simm.s32 $0x1BFF;
	s22 =	sshll.u32 s6, $0x1;
	s3 =	sadd.s32 s4, s20  }
0x14: {  	s7 =	simm.s32 $0x0;
	s21 =	sshll.u32 s5, $0x1;
	s5 =	sadd.s32 s22, s3  }
0x15: {  	[timem:s7], [sflag:s23] =	dma.local [hbm:s5], s21  }
0x16: {  	_ =	swait.ge [sflag:s23], s21  }
0x17: {  	s4 =	ssub.s32 $0x0, s21;
	[sflag:s23] =	ssyncset.done $0x0  }
0x18: {  	[sflag:s23] =	ssyncadd.s32 s4;
	_ =	sdelay $0x1  }
0x19: {  	s24 =	simm.s32 $0x1B8B  }
0x1a: {  	_ =	swait.ge [sflag:s24], $0x1  }
0x1b: {  	[sflag:s24] =	ssyncset.done $0x0  }
0x1c: {  	s26 =	simm.s32 $0x1B8E;
	s25 =	sld [smem:$0x3FFE];
	[sflag:s24] =	ssyncadd.s32 $0xFFFFFFFF  }
0x1d: {  	s27 =	simm.s32 $execute0_lowered;
	[smem:$0x3FD2] =	sst s26  }
0x1e: {  	s5 =	sshll.u32 s27, $0x1;
	_ =	strace $0x80000049;
	[dreg:$0x1] =	wrdreg $0xFFFFFFFF  }
0x1f: {  	s28 =	simm.s32 $_size_execute0_lowered;
	s3 =	sadd.s32 s3, s5;
	[dreg:$0x0] =	wrdreg $0x0  }
0x20: {  	s5 =	sshll.u32 s28, $0x1;
	[dreg:$0x2] =	wrdreg s3  }
0x21: {  	[dreg:$0x3] =	wrdreg s5  }
0x22: {  	[dreg:$0x4] =	wrdreg $0xC0  }
0x23: {  	_ =	task [dreg:s7], $0x5FFFF  }
0x24: {  	[dreg:$0x1] =	wrdreg $0xFFFFFFFF  }
0x25: {  	[dreg:$0x0] =	wrdreg $0x60  }
0x26: {  	[dreg:$0x2] =	wrdreg s25  }
0x27: {  	[dreg:$0x3] =	wrdreg s2  }
0x28: {  	[dreg:$0x4] =	wrdreg $0x9  }
0x29: {  	_ =	task.clear_ibuf [dreg:s7], $0x5FFFF;
	_ =	strace $0x90000049  }
0x2a: {  	s29 =	simm.s32 $0x9;
	_ =	strace $0x8000004B  }
0x2b: {  	_ =	swait.ge [sflag:s29], $0x1  }
0x2c: {  	[sflag:s29] =	ssyncadd.s32 $0xFFFFFFFF  }
0x2d: {  	_ =	strace $0x9000004B  }
0x2e: {  	_ =	sfence  }
0x2f: {  	s30 =	sld [smem:$0x0];
	_ =	sdelay $0x2  }
0x30: {  	s31 =	sshll.u32 s1, $0xD;
	s1 =	sshrl.u32 s1, $0x2  }
0x31: {  	s3 =	sand.u32 $0x4000, s31;
	s1 =	sadd.s32 s1, s30  }
0x32: {  	s0 =	sor.u32 s3, s0;
	s1 =	sshll.u32 s1, $0x11  }
0x33: {  	s0 =	sor.u32 s1, s0  }
0x34: {  	s0 =	sadd.s32 $0x8F2B, s0  }
0x35: {  	[sflag:s0] =	ssyncadd.remote.s32 $0x1  }
0x36: {  	_ =	sfence.sel $0xFFFF  }
0x37: {  	[dreg:$0x0] =	wrdreg $0xFFFFFFFF;
	(pc) =	sbr.abs _section_cstart, $3  }
0x38: {  	[dreg:$0x1] =	wrdreg $0xFFFFFFFF  }
0x39: {  	_ =	task.clear_ibuf [dreg:s7], $0x2FFFF;
	_ =	strace $0x9FFFFFFF  }
0x3a: {  	(tm) =	ssettm $0x7FFFFFFF  }
0x3b: {  	_ =	shalt  }
tec
execute0_lowered:
.L_overlay_start_1:
0x0: {  	(tag) =	ssettag $0x1  }
0x1: {  	s0 =	stileid.u32;
	s6 =	rddreg [dreg:$0x0]  }
0x2: {  	s2 =	rddreg [dreg:$0x1];
	s5 =	srdreg.scid  }
0x3: {  	s31 =	simm.s32 $0x2;
	s13 =	simm.s32 $0x0;
	s1 =	sshll.u32 s0, $0x7  }
0x4: {  	s14 =	simm.s32 $0x0;
	s12 =	simm.s32 $0x0;
	s3 =	sand.u32 $0x380, s1  }
0x5: {  	s5 =	sshll.u32 s5, $0x4;
	s6 =	sadd.s32 $0xC00, s6;
	s4 =	ssub.s32 $0x400, s3  }
0x6: {  	s1 =	rddreg [dreg:$0x2];
	_ =	strace $0x8000004A;
	s7 =	sand.u32 $0x380, s4  }
0x7: {  	s5 =	sand.u32 $0x10, s5;
	p0 =	sne.s32 s7, $0x0;
	s7 =	simm.s32 $0x1  }
.Ltmp0:
0x8: {  	s8 =	sshrl.u32 s4, $0xA;
	s7 =	simm.s32 @!p0 $0x0;
	(pc) =	sbr.rel .LBB1_1-.Ltmp0, $4  }
0x9: {  	s9 =	sor.u32 s0, s5;
	s4 =	simm.s32 $0x1;
	s30 =	sadd.s32 s7, s8  }
0xa: {  	s11 =	smov.u32 s3;
	[sflag:s4] =	ssyncpa.u1 $0x0;
	s5 =	smul.u32 $0x32, s30  }
0xb: {  	[sflag:s31] =	ssyncpa.u1 $0x0;
	p0 =	por $0x0, $0x0;
	s7 =	sshrl.u32 s9, $0x3  }
0xc: {  	s9 =	simm.s32 $0x2000;
	s10 =	smov.u32 s7;
	s8 =	sor.u32 $0x1, s5  }
.LBB1_4:
0xd: {  	s17 =	sand.u32 $0x1F80, s14;
	s13 =	sshll.u32 s13, $0xD  }
0xe: {  	[tilespmem:s16+$0x810 ss:$0x81] =	vst.msk $0xffff, v2;
	s18 =	sshrl.u32 s14, $0x3;
	s31 =	sand.u32 $0x7, s14;
	s17 =	sadd.s32 s2, s17  }
0xf: {  	[tilespmem:s16+$0x1020 ss:$0x81] =	vst.msk $0xffff, v0;
	s18 =	sand.u32 $0xF, s18;
	s14 =	sshll.u32 s31, $0x12;
	s13 =	sadd.s32 s13, s17  }
0x10: {  	[tilespmem:s16+$0x0 ss:$0x81] =	vst.msk $0xffff, v1;
	s14 =	sor.u32 $0x400, s14;
	s13 =	sadd.s32 s18, s13  }
0x11: {  	[hbm4b:s13+s14] =	stream.strided.scatter [tilespmem:s15], [sflag:$0x2], $0x2000, s9, s14, $0x20;
	[tilespmem:$0x8080] =	vst v63  }
.LBB1_5:
0x12: {  	s15 =	sadd.s32 $0x4, s10  }
0x13: {  	s13 =	sadd.s32 $0x400, s11;
	s17 =	smov.u32 s11;
	p2 =	sgt.s32 s15, $0xC7  }
0x14: {  	s17 =	smov.u32 @p2 s13  }
0x15: {  	s15 =	smov.u32 @p2 s7;
	p2 =	sgt.s32 s17, $0x3FF  }
0x16: {  	s17 =	smov.u32 @p2 s3;
	p2 =	sne.s32 s12, s8  }
.Ltmp1:
0x17: {  	p1 =	slt.u32 s12, $0x2;
	(pc) =	sbr.rel @!p2 .LBB1_6-.Ltmp1, $4  }
0x18: {  	s16 =	simm.s32 @!p1 $0x2  }
0x19: {  	s14 =	smov.u32 s11;
	p0 =	por !p0, !p0;
	_ =	swait.ge @!p1 [sflag:s16], $0x2000  }
0x1a: {  	s13 =	smov.u32 s10;
	[sflag:s16] =	ssyncset.done @!p1 $0x0;
	s10 =	smov.u32 s15  }
0x1b: {  	s12 =	sadd.s32 $0x1, s12;
	[sflag:s16] =	ssyncadd.s32 @!p1 $0xFFFFE000;
	s11 =	smov.u32 s17  }
.LBB1_1:
0x1c: {  	p1 =	sge.u32 s12, s5  }
0x1d: {  	s15 =	sand.u32 @!p1 $0x1FFFFFF, s10  }
0x1e: {  	s16 =	smulhi.u32 @!p1 $0x147AE15, s15;
	_ =	sdelay $0x1  }
0x1f: {  	s16 =	smul.u32 @!p1 $0xC8, s16  }
0x20: {  	s17 =	sxor.u32 @!p1 $0xFFFFFFFF, s12;
	s18 =	smul.u32 @!p1 $0xC80, s11  }
0x21: {  	s31 =	sadd.s32 $0xFFFFFFFF, s12;
	s17 =	sshll.u32 @!p1 s17, $0xD;
	s15 =	ssub.s32 @!p1 s15, s16  }
0x22: {  	s16 =	sand.u32 @!p1 $0x2000, s17;
	s17 =	sadd.s32 @!p1 s6, s18;
	s15 =	sshll.u32 @!p1 s15, $0x4  }
0x23: {  	s18 =	simm.s32 @!p1 $0x6400;
	s15 =	sadd.s32 @!p1 s15, s17;
	s17 =	simm.s32 @!p1 $0x40  }
0x24: {  	[tilespmem:s16], [sflag:$0x1] =	stream.strided.gather @!p1 [hbm4b:s15+s17], $0x2000, s18, s17, $0x38;
	[tilespmem:$0x8080] =	vst v63  }
0x25: {  	p1 =	sge.u32 s31, s5  }
.Ltmp2:
0x26: {  	_ = 	snop;
	(pc) =	sbr.rel @p1 .LBB1_5-.Ltmp2, $1  }
0x27: {  	_ =	sdelay $0x3  }
0x28: {  	s15 =	simm.s32 $0x1  }
0x29: {  	_ =	swait.ge [sflag:s4], $0x2000;
	s15 =	simm.s32 @!p0 $0x0  }
0x2a: {  	[sflag:s4] =	ssyncset.done $0x0;
	s16 =	sshll.u32 s15, $0xD  }
0x2b: {  	[sflag:s4] =	ssyncadd.s32 $0xFFFFE000;
	s19 =	sor.u32 $0x20, s16  }
0x2c: {  	s15 =	smul.u32 $0x8100, s15;
	v3 =	vld [tilespmem:s19+$0x10]  }
0x2d: {  	s30 =	sand.u32 $0x1, s12;
	v2 =	vld [tilespmem:s19+$0xFFFFFFF0]  }
0x2e: {  	s16 =	smul.u32 $0x8100, s30;
	s15 =	sshrl.u32 s15, $0x2;
	v0 =	vld [tilespmem:s19+$0x0]  }
0x2f: {  	v1 =	vld [tilespmem:s19+$0xFFFFFFE0];
	s17 =	sor.u32 $0x4000, s15  }
0x30: {  	s31 =	sshrl.u32 s16, $0x2;
	s16 =	sadd.s32 $0x0, s17  }
0x31: {  	s18 =	simm.s32 $0x4;
	s19 =	sadd.s32 $0x40, s19;
	s15 =	sor.u32 $0x4000, s31;
	[tilespmem:s16+$0x1830 ss:$0x81] =	vst.msk $0xffff, v3  }
.LBB1_3:
0x32: {  	v3 =	vld [tilespmem:s19+$0x10];
	p1 =	sne.s32 s18, $0x1FC;
	[tilespmem:s16+$0x810 ss:$0x81] =	vst.msk $0xffff, v2;
	s20 =	smov.u32 s18;
	s18 =	sadd.s32 $0x4, s18  }
.Ltmp3:
0x33: {  	v2 =	vld [tilespmem:s19+$0xFFFFFFF0];
	[tilespmem:s16+$0x1020 ss:$0x81] =	vst.msk $0xffff, v0;
	(pc) =	sbr.rel @p1 .LBB1_3-.Ltmp3, $4  }
0x34: {  	v0 =	vld [tilespmem:s19+$0x0];
	[tilespmem:s16+$0x0 ss:$0x81] =	vst.msk $0xffff, v1  }
0x35: {  	s16 =	sshra.s32 s20, $0x2;
	v1 =	vld [tilespmem:s19+$0xFFFFFFE0]  }
0x36: {  	s16 =	sadd.s32 s16, s17  }
0x37: {  	s19 =	sadd.s32 $0x40, s19;
	[tilespmem:s16+$0x1830 ss:$0x81] =	vst.msk $0xffff, v3  }
.Ltmp4:
0x38: {  	_ = 	snop;
	(pc) =	sbr.rel .LBB1_4-.Ltmp4, $1  }
0x39: {  	_ =	sdelay $0x3  }
.LBB1_6:
0x3a: {  	_ =	sfence.sel $0x180000  }
0x3b: {  	s2 =	simm.s32 $0x1;
	[bflag:$0x0] =	sbarrier.arrive $0xFFFF  }
0x3c: {  	s31 =	simm.s32 $0x2;
	[sflag:s2] =	ssyncpa.u1 $0x1  }
0x3d: {  	[sflag:s31] =	ssyncpa.u1 $0x1  }
0x3e: {  	p0 =	sne.s32 s0, $0x0;
	_ =	strace $0x9000004A  }
0x3f: {  	s0 =	sadd.s32 @!p0 $0x100000, s1;
	[bflag:$0x2] =	sbarrier.arrive $0xFFFF  }
0x40: {  	[sflag:s0] =	ssyncadd.tile.s32 @!p0 $0x1;
	_ =	shalt  }
.Lfunc_end1:
_tile_overlayer_lowered:
.L_overlay_start_2:
0x41: {  	(tag) =	ssettag $0x2  }
0x42: {  	s0 =	rddreg [dreg:$0x0];
	s2 =	stileid.u32  }
0x43: {  	s1 =	rddreg [dreg:$0x1];
	p0 =	sne.s32 s2, $0x0  }
0x44: {  	s3 =	rddreg [dreg:$0x2];
	[bflag:$0x3] =	sbarrier.arrive $0xFFFF;
	s2 =	simm.s32 @!p0 $0x1C01  }
0x45: {  	[timem:s3], [sflag:s2] =	dma.local @!p0 [hbm:s0], s1  }
0x46: {  	s0 =	simm.s32 @!p0 $0x1  }
0x47: {  	_ =	swait.ge @!p0 [sflag:s0], s1  }
0x48: {  	s1 =	ssub.s32 @!p0 $0x0, s1;
	[sflag:s0] =	ssyncset.done @!p0 $0x0  }
0x49: {  	[sflag:s0] =	ssyncadd.s32 @!p0 s1  }
0x4a: {  	[bflag:$0x3] =	sbarrier.arrive $0xFFFF  }
0x4b: {  	_ =	shalt  }

</sc_bundles>
